<compile_context>
chip_gen: v7x
topology: tpu7x:2x2x1
jax: 0.10.2.dev20260603
libtpu: 0.0.44.dev20260713+nightly
codegen_flags: <defaults>
</compile_context>

<pallas_src>
import functools

import jax
import jax.numpy as jnp
from jax import lax
from jax.experimental import pallas as pl
from jax.experimental.pallas import tpu as pltpu
from jax.experimental.pallas import tpu_sc as plsc

VOCAB = 1000000
DIM = 32
B = 1024
K = 20
RW = 128

NC = 2
NS = 16
NW = NC * NS
BPW = B // NW
NPW = B * K // NW
NCHUNK = NPW // 128

TW = 8192


def _tc_transpose_body(in_ref, out_ref):
    out_ref[:, pl.ds(0, DIM)] = in_ref[...].T


def _tc_transpose(embT):
    grid = (VOCAB + TW - 1) // TW
    return pl.pallas_call(
        _tc_transpose_body,
        grid=(grid,),
        in_specs=[pl.BlockSpec((DIM, TW), lambda c: (0, c))],
        out_specs=pl.BlockSpec((TW, RW), lambda c: (c, 0)),
        out_shape=jax.ShapeDtypeStruct((VOCAB, RW), jnp.float32),
    )(embT)


def _sc_gather_body(cidx_hbm, tidx_hbm, nidx_hbm, emb_hbm,
                    outc_hbm, outt_hbm, outn_hbm,
                    idx_c, idx_t, idx_n, rows_c, rows_t, rows_n, sem):
    w = lax.axis_index("s") * NC + lax.axis_index("c")
    pltpu.sync_copy(cidx_hbm.at[pl.ds(w * BPW, BPW)], idx_c)
    pltpu.sync_copy(tidx_hbm.at[pl.ds(w * BPW, BPW)], idx_t)
    for j in range(NCHUNK):
        pltpu.sync_copy(
            nidx_hbm.at[pl.ds(w * NPW + j * 128, 128)], idx_n[j])
    cps = [
        pltpu.async_copy(emb_hbm.at[idx_c], rows_c, sem),
        pltpu.async_copy(emb_hbm.at[idx_t], rows_t, sem),
    ]
    for j in range(NCHUNK):
        cps.append(pltpu.async_copy(
            emb_hbm.at[idx_n[j]],
            rows_n.at[pl.ds(j * 128, 128)], sem))
    for cp in cps:
        cp.wait()
    pltpu.sync_copy(rows_c, outc_hbm.at[pl.ds(w * BPW, BPW)])
    pltpu.sync_copy(rows_t, outt_hbm.at[pl.ds(w * BPW, BPW)])
    pltpu.sync_copy(rows_n, outn_hbm.at[pl.ds(w * NPW, NPW)])


_sc_gather = functools.partial(
    pl.kernel,
    out_type=(
        jax.ShapeDtypeStruct((B, RW), jnp.float32),
        jax.ShapeDtypeStruct((B, RW), jnp.float32),
        jax.ShapeDtypeStruct((B * K, RW), jnp.float32),
    ),
    mesh=plsc.VectorSubcoreMesh(core_axis_name="c", subcore_axis_name="s"),
    compiler_params=pltpu.CompilerParams(use_tc_tiling_on_sc=True),
    scratch_types=[
        pltpu.VMEM((BPW,), jnp.int32),
        pltpu.VMEM((BPW,), jnp.int32),
        [pltpu.VMEM((128,), jnp.int32) for _ in range(NCHUNK)],
        pltpu.VMEM((BPW, RW), jnp.float32),
        pltpu.VMEM((BPW, RW), jnp.float32),
        pltpu.VMEM((NPW, RW), jnp.float32),
        pltpu.SemaphoreType.DMA,
    ],
)(_sc_gather_body)


def _tc_loss_body(c_ref, t_ref, n_ref, out_ref):
    c = c_ref[:, pl.ds(0, DIM)]
    t = t_ref[:, pl.ds(0, DIM)]
    nsum = jnp.zeros((B, DIM), jnp.float32)
    for k in range(K):
        nsum = nsum + n_ref[pl.ds(k * B, B), pl.ds(0, DIM)]
    p = jnp.sum(t * c, axis=1, keepdims=True)
    n = -jnp.sum(nsum * c, axis=1, keepdims=True)
    loss = jax.nn.log_sigmoid(p) + jax.nn.log_sigmoid(n)
    out_ref[0, 0] = -jnp.mean(loss)


def kernel(center, target, noise, embeddings):
    center = center.astype(jnp.int32)
    target = target.astype(jnp.int32)
    nidx = jnp.transpose(noise.astype(jnp.int32)).reshape(B * K)
    emb_p = _tc_transpose(jnp.transpose(embeddings))
    c_rows, t_rows, n_rows = _sc_gather(center, target, nidx, emb_p)
    out = pl.pallas_call(
        _tc_loss_body,
        out_shape=jax.ShapeDtypeStruct((1, 1), jnp.float32),
        out_specs=pl.BlockSpec(memory_space=pltpu.SMEM),
    )(c_rows, t_rows, n_rows)
    return out[0, 0]

# --- scband reference (transcript-rebuilt; emitter-appended) ---
"""Pipeline reference for scband-skip-gram-negative-sampling-78005196030578 (READ-ONLY COPY).

The authoritative reference and input builder live on the scoring server;
editing this copy changes nothing except your own understanding.
"""

import jax, jax.numpy as jnp
import numpy as np

VOCAB = 1000000
DIM = 32
B = 1024
K = 20

def setup_inputs(seed: int = 0) -> dict:
    key = jax.random.key(seed)
    k1, k2, k3, k4 = jax.random.split(key, 4)
    center = jax.random.randint(k1, (B,), 0, VOCAB, dtype=jnp.int64 if jax.config.jax_enable_x64 else jnp.int32)
    target = jax.random.randint(k2, (B,), 0, VOCAB, dtype=jnp.int64 if jax.config.jax_enable_x64 else jnp.int32)
    noise = jax.random.randint(k3, (B, K), 0, VOCAB, dtype=jnp.int64 if jax.config.jax_enable_x64 else jnp.int32)
    embeddings = jax.random.normal(k4, (VOCAB, DIM), dtype=jnp.float32)
    return {"center": center, "target": target, "noise": noise, "embeddings": embeddings}

def reference(center, target, noise, embeddings):
    # center = self.embeddings(center).unsqueeze(1) -> [B, 1, d]
    c = jnp.take(embeddings, center, axis=0)[:, None, :]
    # target = self.embeddings(target).unsqueeze(1) -> [B, 1, d]
    t = jnp.take(embeddings, target, axis=0)[:, None, :]
    # noise = -1 * self.embeddings(noise) -> [B, K, d]
    n = -1.0 * jnp.take(embeddings, noise, axis=0)
    # p_scre = target.bmm(center.transpose(1, 2)) -> [B, 1, 1]
    p_scre = jnp.einsum('bid,bjd->bij', t, c)
    # n_scre = sum(noise.bmm(center.transpose(1, 2)), dim=1) -> [B, 1]
    n_scre = jnp.sum(jnp.einsum('bkd,bjd->bkj', n, c), axis=1)
    # loss = logsigmoid(p_scre) + logsigmoid(n_scre)
    # NOTE: faithful to original: [B,1,1] + [B,1] broadcasts to [B,B,1]
    loss = jax.nn.log_sigmoid(p_scre) + jax.nn.log_sigmoid(n_scre)
    return -jnp.mean(loss)

if __name__ == "__main__":
    import jax
    _d = setup_inputs()
    print(jax.jit(kernel)(*tuple(_d.values())))

</pallas_src>

<mosaic_0001>
#map = affine_map<(d0, d1) -> (0)>
#map1 = affine_map<(d0, d1) -> (0, 0)>
module attributes {stable_mosaic.version = 14 : i64} {
  func.func @_sc_gather_body(%arg0: i32, %arg1: i32, %arg2: memref<1024xi32, #tpu.memory_space<hbm>>, %arg3: memref<1024xi32, #tpu.memory_space<hbm>>, %arg4: memref<20480xi32, #tpu.memory_space<hbm>>, %arg5: memref<1000000x128xf32, #tpu.memory_space<hbm>>, %arg6: memref<1024x128xf32, #tpu.memory_space<hbm>>, %arg7: memref<1024x128xf32, #tpu.memory_space<hbm>>, %arg8: memref<20480x128xf32, #tpu.memory_space<hbm>>, %arg9: memref<32xi32, #tpu.memory_space<vmem>>, %arg10: memref<32xi32, #tpu.memory_space<vmem>>, %arg11: memref<128xi32, #tpu.memory_space<vmem>>, %arg12: memref<128xi32, #tpu.memory_space<vmem>>, %arg13: memref<128xi32, #tpu.memory_space<vmem>>, %arg14: memref<128xi32, #tpu.memory_space<vmem>>, %arg15: memref<128xi32, #tpu.memory_space<vmem>>, %arg16: memref<32x128xf32, #tpu.memory_space<vmem>>, %arg17: memref<32x128xf32, #tpu.memory_space<vmem>>, %arg18: memref<640x128xf32, #tpu.memory_space<vmem>>, %arg19: memref<!tpu.dma_semaphore, #tpu.memory_space<semaphore_mem>>) attributes {dimension_semantics = [#tpu.dimension_semantics<core_parallel>, #tpu.dimension_semantics<subcore_parallel>], iteration_bounds = array<i64: 2, 16>, scalar_prefetch = 0 : i64, scratch_operands = 11 : i64, tpu.core_type = #tpu.core_type<sc_vector_subcore>, window_params = [{transform_indices = #map}, {transform_indices = #map}, {transform_indices = #map}, {transform_indices = #map1}, {transform_indices = #map1}, {transform_indices = #map1}, {transform_indices = #map1}]} {
    %mul3A = arith.constant 2 : i32
    %mul3A_0 = arith.muli %arg1, %mul3A : i32
    %add3A = arith.addi %mul3A_0, %arg0 : i32
    %mul3A_1 = arith.constant 32 : i32
    %mul3A_2 = arith.muli %add3A, %mul3A_1 : i32
    "tpu.region"() ({
      %run_scoped3A = tpu.sem_alloc : memref<!tpu.dma_semaphore, #tpu.memory_space<semaphore_mem>>
      %dma_start3A_101 = tpu.memref_slice %arg2[%mul3A_2] : memref<1024xi32, #tpu.memory_space<hbm>> -> memref<32xi32, #tpu.memory_space<hbm>>
      %dma_start3A_102 = tpu.memref_slice %arg2[%mul3A_2] : memref<1024xi32, #tpu.memory_space<hbm>> -> memref<32xi32, #tpu.memory_space<hbm>>
      tpu.enqueue_dma source(%dma_start3A_102 : memref<32xi32, #tpu.memory_space<hbm>>) target(%arg9 : memref<32xi32, #tpu.memory_space<vmem>>) target_semaphore(%run_scoped3A : memref<!tpu.dma_semaphore, #tpu.memory_space<semaphore_mem>>)
      %dma_wait3A_103 = tpu.memref_slice %arg2[%mul3A_2] : memref<1024xi32, #tpu.memory_space<hbm>> -> memref<32xi32, #tpu.memory_space<hbm>>
      %dma_wait3A_104 = tpu.memref_slice %arg2[%mul3A_2] : memref<1024xi32, #tpu.memory_space<hbm>> -> memref<32xi32, #tpu.memory_space<hbm>>
      tpu.wait_dma2 semaphore(%run_scoped3A : memref<!tpu.dma_semaphore, #tpu.memory_space<semaphore_mem>>) src(%dma_wait3A_104 : memref<32xi32, #tpu.memory_space<hbm>>) dst(%arg9 : memref<32xi32, #tpu.memory_space<vmem>>)
      tpu.yield
    }) : () -> ()
    %mul3A_3 = arith.constant 32 : i32
    %mul3A_4 = arith.muli %add3A, %mul3A_3 : i32
    "tpu.region"() ({
      %run_scoped3A = tpu.sem_alloc : memref<!tpu.dma_semaphore, #tpu.memory_space<semaphore_mem>>
      %dma_start3A_101 = tpu.memref_slice %arg3[%mul3A_4] : memref<1024xi32, #tpu.memory_space<hbm>> -> memref<32xi32, #tpu.memory_space<hbm>>
      %dma_start3A_102 = tpu.memref_slice %arg3[%mul3A_4] : memref<1024xi32, #tpu.memory_space<hbm>> -> memref<32xi32, #tpu.memory_space<hbm>>
      tpu.enqueue_dma source(%dma_start3A_102 : memref<32xi32, #tpu.memory_space<hbm>>) target(%arg10 : memref<32xi32, #tpu.memory_space<vmem>>) target_semaphore(%run_scoped3A : memref<!tpu.dma_semaphore, #tpu.memory_space<semaphore_mem>>)
      %dma_wait3A_103 = tpu.memref_slice %arg3[%mul3A_4] : memref<1024xi32, #tpu.memory_space<hbm>> -> memref<32xi32, #tpu.memory_space<hbm>>
      %dma_wait3A_104 = tpu.memref_slice %arg3[%mul3A_4] : memref<1024xi32, #tpu.memory_space<hbm>> -> memref<32xi32, #tpu.memory_space<hbm>>
      tpu.wait_dma2 semaphore(%run_scoped3A : memref<!tpu.dma_semaphore, #tpu.memory_space<semaphore_mem>>) src(%dma_wait3A_104 : memref<32xi32, #tpu.memory_space<hbm>>) dst(%arg10 : memref<32xi32, #tpu.memory_space<vmem>>)
      tpu.yield
    }) : () -> ()
    %mul3A_5 = arith.constant 640 : i32
    %mul3A_6 = arith.muli %add3A, %mul3A_5 : i32
    %add3A_7 = arith.constant 0 : i32
    %add3A_8 = arith.addi %mul3A_6, %add3A_7 : i32
    "tpu.region"() ({
      %run_scoped3A = tpu.sem_alloc : memref<!tpu.dma_semaphore, #tpu.memory_space<semaphore_mem>>
      %dma_start3A_101 = tpu.memref_slice %arg4[%add3A_8] : memref<20480xi32, #tpu.memory_space<hbm>> -> memref<128xi32, #tpu.memory_space<hbm>>
      %dma_start3A_102 = tpu.memref_slice %arg4[%add3A_8] : memref<20480xi32, #tpu.memory_space<hbm>> -> memref<128xi32, #tpu.memory_space<hbm>>
      tpu.enqueue_dma source(%dma_start3A_102 : memref<128xi32, #tpu.memory_space<hbm>>) target(%arg11 : memref<128xi32, #tpu.memory_space<vmem>>) target_semaphore(%run_scoped3A : memref<!tpu.dma_semaphore, #tpu.memory_space<semaphore_mem>>)
      %dma_wait3A_103 = tpu.memref_slice %arg4[%add3A_8] : memref<20480xi32, #tpu.memory_space<hbm>> -> memref<128xi32, #tpu.memory_space<hbm>>
      %dma_wait3A_104 = tpu.memref_slice %arg4[%add3A_8] : memref<20480xi32, #tpu.memory_space<hbm>> -> memref<128xi32, #tpu.memory_space<hbm>>
      tpu.wait_dma2 semaphore(%run_scoped3A : memref<!tpu.dma_semaphore, #tpu.memory_space<semaphore_mem>>) src(%dma_wait3A_104 : memref<128xi32, #tpu.memory_space<hbm>>) dst(%arg11 : memref<128xi32, #tpu.memory_space<vmem>>)
      tpu.yield
    }) : () -> ()
    %mul3A_9 = arith.constant 640 : i32
    %mul3A_10 = arith.muli %add3A, %mul3A_9 : i32
    %add3A_11 = arith.constant 128 : i32
    %add3A_12 = arith.addi %mul3A_10, %add3A_11 : i32
    "tpu.region"() ({
      %run_scoped3A = tpu.sem_alloc : memref<!tpu.dma_semaphore, #tpu.memory_space<semaphore_mem>>
      %dma_start3A_101 = tpu.memref_slice %arg4[%add3A_12] : memref<20480xi32, #tpu.memory_space<hbm>> -> memref<128xi32, #tpu.memory_space<hbm>>
      %dma_start3A_102 = tpu.memref_slice %arg4[%add3A_12] : memref<20480xi32, #tpu.memory_space<hbm>> -> memref<128xi32, #tpu.memory_space<hbm>>
      tpu.enqueue_dma source(%dma_start3A_102 : memref<128xi32, #tpu.memory_space<hbm>>) target(%arg12 : memref<128xi32, #tpu.memory_space<vmem>>) target_semaphore(%run_scoped3A : memref<!tpu.dma_semaphore, #tpu.memory_space<semaphore_mem>>)
      %dma_wait3A_103 = tpu.memref_slice %arg4[%add3A_12] : memref<20480xi32, #tpu.memory_space<hbm>> -> memref<128xi32, #tpu.memory_space<hbm>>
      %dma_wait3A_104 = tpu.memref_slice %arg4[%add3A_12] : memref<20480xi32, #tpu.memory_space<hbm>> -> memref<128xi32, #tpu.memory_space<hbm>>
      tpu.wait_dma2 semaphore(%run_scoped3A : memref<!tpu.dma_semaphore, #tpu.memory_space<semaphore_mem>>) src(%dma_wait3A_104 : memref<128xi32, #tpu.memory_space<hbm>>) dst(%arg12 : memref<128xi32, #tpu.memory_space<vmem>>)
      tpu.yield
    }) : () -> ()
    %mul3A_13 = arith.constant 640 : i32
    %mul3A_14 = arith.muli %add3A, %mul3A_13 : i32
    %add3A_15 = arith.constant 256 : i32
    %add3A_16 = arith.addi %mul3A_14, %add3A_15 : i32
    "tpu.region"() ({
      %run_scoped3A = tpu.sem_alloc : memref<!tpu.dma_semaphore, #tpu.memory_space<semaphore_mem>>
      %dma_start3A_101 = tpu.memref_slice %arg4[%add3A_16] : memref<20480xi32, #tpu.memory_space<hbm>> -> memref<128xi32, #tpu.memory_space<hbm>>
      %dma_start3A_102 = tpu.memref_slice %arg4[%add3A_16] : memref<20480xi32, #tpu.memory_space<hbm>> -> memref<128xi32, #tpu.memory_space<hbm>>
      tpu.enqueue_dma source(%dma_start3A_102 : memref<128xi32, #tpu.memory_space<hbm>>) target(%arg13 : memref<128xi32, #tpu.memory_space<vmem>>) target_semaphore(%run_scoped3A : memref<!tpu.dma_semaphore, #tpu.memory_space<semaphore_mem>>)
      %dma_wait3A_103 = tpu.memref_slice %arg4[%add3A_16] : memref<20480xi32, #tpu.memory_space<hbm>> -> memref<128xi32, #tpu.memory_space<hbm>>
      %dma_wait3A_104 = tpu.memref_slice %arg4[%add3A_16] : memref<20480xi32, #tpu.memory_space<hbm>> -> memref<128xi32, #tpu.memory_space<hbm>>
      tpu.wait_dma2 semaphore(%run_scoped3A : memref<!tpu.dma_semaphore, #tpu.memory_space<semaphore_mem>>) src(%dma_wait3A_104 : memref<128xi32, #tpu.memory_space<hbm>>) dst(%arg13 : memref<128xi32, #tpu.memory_space<vmem>>)
      tpu.yield
    }) : () -> ()
    %mul3A_17 = arith.constant 640 : i32
    %mul3A_18 = arith.muli %add3A, %mul3A_17 : i32
    %add3A_19 = arith.constant 384 : i32
    %add3A_20 = arith.addi %mul3A_18, %add3A_19 : i32
    "tpu.region"() ({
      %run_scoped3A = tpu.sem_alloc : memref<!tpu.dma_semaphore, #tpu.memory_space<semaphore_mem>>
      %dma_start3A_101 = tpu.memref_slice %arg4[%add3A_20] : memref<20480xi32, #tpu.memory_space<hbm>> -> memref<128xi32, #tpu.memory_space<hbm>>
      %dma_start3A_102 = tpu.memref_slice %arg4[%add3A_20] : memref<20480xi32, #tpu.memory_space<hbm>> -> memref<128xi32, #tpu.memory_space<hbm>>
      tpu.enqueue_dma source(%dma_start3A_102 : memref<128xi32, #tpu.memory_space<hbm>>) target(%arg14 : memref<128xi32, #tpu.memory_space<vmem>>) target_semaphore(%run_scoped3A : memref<!tpu.dma_semaphore, #tpu.memory_space<semaphore_mem>>)
      %dma_wait3A_103 = tpu.memref_slice %arg4[%add3A_20] : memref<20480xi32, #tpu.memory_space<hbm>> -> memref<128xi32, #tpu.memory_space<hbm>>
      %dma_wait3A_104 = tpu.memref_slice %arg4[%add3A_20] : memref<20480xi32, #tpu.memory_space<hbm>> -> memref<128xi32, #tpu.memory_space<hbm>>
      tpu.wait_dma2 semaphore(%run_scoped3A : memref<!tpu.dma_semaphore, #tpu.memory_space<semaphore_mem>>) src(%dma_wait3A_104 : memref<128xi32, #tpu.memory_space<hbm>>) dst(%arg14 : memref<128xi32, #tpu.memory_space<vmem>>)
      tpu.yield
    }) : () -> ()
    %mul3A_21 = arith.constant 640 : i32
    %mul3A_22 = arith.muli %add3A, %mul3A_21 : i32
    %add3A_23 = arith.constant 512 : i32
    %add3A_24 = arith.addi %mul3A_22, %add3A_23 : i32
    "tpu.region"() ({
      %run_scoped3A = tpu.sem_alloc : memref<!tpu.dma_semaphore, #tpu.memory_space<semaphore_mem>>
      %dma_start3A_101 = tpu.memref_slice %arg4[%add3A_24] : memref<20480xi32, #tpu.memory_space<hbm>> -> memref<128xi32, #tpu.memory_space<hbm>>
      %dma_start3A_102 = tpu.memref_slice %arg4[%add3A_24] : memref<20480xi32, #tpu.memory_space<hbm>> -> memref<128xi32, #tpu.memory_space<hbm>>
      tpu.enqueue_dma source(%dma_start3A_102 : memref<128xi32, #tpu.memory_space<hbm>>) target(%arg15 : memref<128xi32, #tpu.memory_space<vmem>>) target_semaphore(%run_scoped3A : memref<!tpu.dma_semaphore, #tpu.memory_space<semaphore_mem>>)
      %dma_wait3A_103 = tpu.memref_slice %arg4[%add3A_24] : memref<20480xi32, #tpu.memory_space<hbm>> -> memref<128xi32, #tpu.memory_space<hbm>>
      %dma_wait3A_104 = tpu.memref_slice %arg4[%add3A_24] : memref<20480xi32, #tpu.memory_space<hbm>> -> memref<128xi32, #tpu.memory_space<hbm>>
      tpu.wait_dma2 semaphore(%run_scoped3A : memref<!tpu.dma_semaphore, #tpu.memory_space<semaphore_mem>>) src(%dma_wait3A_104 : memref<128xi32, #tpu.memory_space<hbm>>) dst(%arg15 : memref<128xi32, #tpu.memory_space<vmem>>)
      tpu.yield
    }) : () -> ()
    %dma_start3A = arith.constant 0 : i32
    %dma_start3A_25 = arith.constant 0 : i32
    %dma_start3A_26 = tpu.memref_slice %arg5[%dma_start3A, %dma_start3A_25] : memref<1000000x128xf32, #tpu.memory_space<hbm>> -> memref<1000000x128xf32, #tpu.memory_space<hbm>>
    tpu.enqueue_indirect_dma source(%dma_start3A_26 : memref<1000000x128xf32, #tpu.memory_space<hbm>>) target(%arg16 : memref<32x128xf32, #tpu.memory_space<vmem>>) offsets(%arg9 : memref<32xi32, #tpu.memory_space<vmem>>) semaphore(%arg19 : memref<!tpu.dma_semaphore, #tpu.memory_space<semaphore_mem>>)
    %dma_start3A_27 = arith.constant 0 : i32
    %dma_start3A_28 = arith.constant 0 : i32
    %dma_start3A_29 = tpu.memref_slice %arg5[%dma_start3A_27, %dma_start3A_28] : memref<1000000x128xf32, #tpu.memory_space<hbm>> -> memref<1000000x128xf32, #tpu.memory_space<hbm>>
    tpu.enqueue_indirect_dma source(%dma_start3A_29 : memref<1000000x128xf32, #tpu.memory_space<hbm>>) target(%arg17 : memref<32x128xf32, #tpu.memory_space<vmem>>) offsets(%arg10 : memref<32xi32, #tpu.memory_space<vmem>>) semaphore(%arg19 : memref<!tpu.dma_semaphore, #tpu.memory_space<semaphore_mem>>)
    %dma_start3A_30 = arith.constant 0 : i32
    %dma_start3A_31 = arith.constant 0 : i32
    %dma_start3A_32 = tpu.memref_slice %arg18[%dma_start3A_30, %dma_start3A_31] : memref<640x128xf32, #tpu.memory_space<vmem>> -> memref<128x128xf32, #tpu.memory_space<vmem>>
    %dma_start3A_33 = arith.constant 0 : i32
    %dma_start3A_34 = arith.constant 0 : i32
    %dma_start3A_35 = tpu.memref_slice %arg5[%dma_start3A_33, %dma_start3A_34] : memref<1000000x128xf32, #tpu.memory_space<hbm>> -> memref<1000000x128xf32, #tpu.memory_space<hbm>>
    tpu.enqueue_indirect_dma source(%dma_start3A_35 : memref<1000000x128xf32, #tpu.memory_space<hbm>>) target(%dma_start3A_32 : memref<128x128xf32, #tpu.memory_space<vmem>>) offsets(%arg11 : memref<128xi32, #tpu.memory_space<vmem>>) semaphore(%arg19 : memref<!tpu.dma_semaphore, #tpu.memory_space<semaphore_mem>>)
    %dma_start3A_36 = arith.constant 128 : i32
    %dma_start3A_37 = arith.constant 0 : i32
    %dma_start3A_38 = tpu.memref_slice %arg18[%dma_start3A_36, %dma_start3A_37] : memref<640x128xf32, #tpu.memory_space<vmem>> -> memref<128x128xf32, #tpu.memory_space<vmem>>
    %dma_start3A_39 = arith.constant 0 : i32
    %dma_start3A_40 = arith.constant 0 : i32
    %dma_start3A_41 = tpu.memref_slice %arg5[%dma_start3A_39, %dma_start3A_40] : memref<1000000x128xf32, #tpu.memory_space<hbm>> -> memref<1000000x128xf32, #tpu.memory_space<hbm>>
    tpu.enqueue_indirect_dma source(%dma_start3A_41 : memref<1000000x128xf32, #tpu.memory_space<hbm>>) target(%dma_start3A_38 : memref<128x128xf32, #tpu.memory_space<vmem>>) offsets(%arg12 : memref<128xi32, #tpu.memory_space<vmem>>) semaphore(%arg19 : memref<!tpu.dma_semaphore, #tpu.memory_space<semaphore_mem>>)
    %dma_start3A_42 = arith.constant 256 : i32
    %dma_start3A_43 = arith.constant 0 : i32
    %dma_start3A_44 = tpu.memref_slice %arg18[%dma_start3A_42, %dma_start3A_43] : memref<640x128xf32, #tpu.memory_space<vmem>> -> memref<128x128xf32, #tpu.memory_space<vmem>>
    %dma_start3A_45 = arith.constant 0 : i32
    %dma_start3A_46 = arith.constant 0 : i32
    %dma_start3A_47 = tpu.memref_slice %arg5[%dma_start3A_45, %dma_start3A_46] : memref<1000000x128xf32, #tpu.memory_space<hbm>> -> memref<1000000x128xf32, #tpu.memory_space<hbm>>
    tpu.enqueue_indirect_dma source(%dma_start3A_47 : memref<1000000x128xf32, #tpu.memory_space<hbm>>) target(%dma_start3A_44 : memref<128x128xf32, #tpu.memory_space<vmem>>) offsets(%arg13 : memref<128xi32, #tpu.memory_space<vmem>>) semaphore(%arg19 : memref<!tpu.dma_semaphore, #tpu.memory_space<semaphore_mem>>)
    %dma_start3A_48 = arith.constant 384 : i32
    %dma_start3A_49 = arith.constant 0 : i32
    %dma_start3A_50 = tpu.memref_slice %arg18[%dma_start3A_48, %dma_start3A_49] : memref<640x128xf32, #tpu.memory_space<vmem>> -> memref<128x128xf32, #tpu.memory_space<vmem>>
    %dma_start3A_51 = arith.constant 0 : i32
    %dma_start3A_52 = arith.constant 0 : i32
    %dma_start3A_53 = tpu.memref_slice %arg5[%dma_start3A_51, %dma_start3A_52] : memref<1000000x128xf32, #tpu.memory_space<hbm>> -> memref<1000000x128xf32, #tpu.memory_space<hbm>>
    tpu.enqueue_indirect_dma source(%dma_start3A_53 : memref<1000000x128xf32, #tpu.memory_space<hbm>>) target(%dma_start3A_50 : memref<128x128xf32, #tpu.memory_space<vmem>>) offsets(%arg14 : memref<128xi32, #tpu.memory_space<vmem>>) semaphore(%arg19 : memref<!tpu.dma_semaphore, #tpu.memory_space<semaphore_mem>>)
    %dma_start3A_54 = arith.constant 512 : i32
    %dma_start3A_55 = arith.constant 0 : i32
    %dma_start3A_56 = tpu.memref_slice %arg18[%dma_start3A_54, %dma_start3A_55] : memref<640x128xf32, #tpu.memory_space<vmem>> -> memref<128x128xf32, #tpu.memory_space<vmem>>
    %dma_start3A_57 = arith.constant 0 : i32
    %dma_start3A_58 = arith.constant 0 : i32
    %dma_start3A_59 = tpu.memref_slice %arg5[%dma_start3A_57, %dma_start3A_58] : memref<1000000x128xf32, #tpu.memory_space<hbm>> -> memref<1000000x128xf32, #tpu.memory_space<hbm>>
    tpu.enqueue_indirect_dma source(%dma_start3A_59 : memref<1000000x128xf32, #tpu.memory_space<hbm>>) target(%dma_start3A_56 : memref<128x128xf32, #tpu.memory_space<vmem>>) offsets(%arg15 : memref<128xi32, #tpu.memory_space<vmem>>) semaphore(%arg19 : memref<!tpu.dma_semaphore, #tpu.memory_space<semaphore_mem>>)
    %dma_wait3A = arith.constant 0 : i32
    %dma_wait3A_60 = arith.constant 0 : i32
    %dma_wait3A_61 = tpu.memref_slice %arg5[%dma_wait3A, %dma_wait3A_60] : memref<1000000x128xf32, #tpu.memory_space<hbm>> -> memref<1000000x128xf32, #tpu.memory_space<hbm>>
    tpu.wait_indirect_dma semaphore(%arg19 : memref<!tpu.dma_semaphore, #tpu.memory_space<semaphore_mem>>) src(%dma_wait3A_61 : memref<1000000x128xf32, #tpu.memory_space<hbm>>) dst(%arg16 : memref<32x128xf32, #tpu.memory_space<vmem>>)
    %dma_wait3A_62 = arith.constant 0 : i32
    %dma_wait3A_63 = arith.constant 0 : i32
    %dma_wait3A_64 = tpu.memref_slice %arg5[%dma_wait3A_62, %dma_wait3A_63] : memref<1000000x128xf32, #tpu.memory_space<hbm>> -> memref<1000000x128xf32, #tpu.memory_space<hbm>>
    tpu.wait_indirect_dma semaphore(%arg19 : memref<!tpu.dma_semaphore, #tpu.memory_space<semaphore_mem>>) src(%dma_wait3A_64 : memref<1000000x128xf32, #tpu.memory_space<hbm>>) dst(%arg17 : memref<32x128xf32, #tpu.memory_space<vmem>>)
    %dma_wait3A_65 = arith.constant 0 : i32
    %dma_wait3A_66 = arith.constant 0 : i32
    %dma_wait3A_67 = tpu.memref_slice %arg18[%dma_wait3A_65, %dma_wait3A_66] : memref<640x128xf32, #tpu.memory_space<vmem>> -> memref<128x128xf32, #tpu.memory_space<vmem>>
    %dma_wait3A_68 = arith.constant 0 : i32
    %dma_wait3A_69 = arith.constant 0 : i32
    %dma_wait3A_70 = tpu.memref_slice %arg5[%dma_wait3A_68, %dma_wait3A_69] : memref<1000000x128xf32, #tpu.memory_space<hbm>> -> memref<1000000x128xf32, #tpu.memory_space<hbm>>
    tpu.wait_indirect_dma semaphore(%arg19 : memref<!tpu.dma_semaphore, #tpu.memory_space<semaphore_mem>>) src(%dma_wait3A_70 : memref<1000000x128xf32, #tpu.memory_space<hbm>>) dst(%dma_wait3A_67 : memref<128x128xf32, #tpu.memory_space<vmem>>)
    %dma_wait3A_71 = arith.constant 128 : i32
    %dma_wait3A_72 = arith.constant 0 : i32
    %dma_wait3A_73 = tpu.memref_slice %arg18[%dma_wait3A_71, %dma_wait3A_72] : memref<640x128xf32, #tpu.memory_space<vmem>> -> memref<128x128xf32, #tpu.memory_space<vmem>>
    %dma_wait3A_74 = arith.constant 0 : i32
    %dma_wait3A_75 = arith.constant 0 : i32
    %dma_wait3A_76 = tpu.memref_slice %arg5[%dma_wait3A_74, %dma_wait3A_75] : memref<1000000x128xf32, #tpu.memory_space<hbm>> -> memref<1000000x128xf32, #tpu.memory_space<hbm>>
    tpu.wait_indirect_dma semaphore(%arg19 : memref<!tpu.dma_semaphore, #tpu.memory_space<semaphore_mem>>) src(%dma_wait3A_76 : memref<1000000x128xf32, #tpu.memory_space<hbm>>) dst(%dma_wait3A_73 : memref<128x128xf32, #tpu.memory_space<vmem>>)
    %dma_wait3A_77 = arith.constant 256 : i32
    %dma_wait3A_78 = arith.constant 0 : i32
    %dma_wait3A_79 = tpu.memref_slice %arg18[%dma_wait3A_77, %dma_wait3A_78] : memref<640x128xf32, #tpu.memory_space<vmem>> -> memref<128x128xf32, #tpu.memory_space<vmem>>
    %dma_wait3A_80 = arith.constant 0 : i32
    %dma_wait3A_81 = arith.constant 0 : i32
    %dma_wait3A_82 = tpu.memref_slice %arg5[%dma_wait3A_80, %dma_wait3A_81] : memref<1000000x128xf32, #tpu.memory_space<hbm>> -> memref<1000000x128xf32, #tpu.memory_space<hbm>>
    tpu.wait_indirect_dma semaphore(%arg19 : memref<!tpu.dma_semaphore, #tpu.memory_space<semaphore_mem>>) src(%dma_wait3A_82 : memref<1000000x128xf32, #tpu.memory_space<hbm>>) dst(%dma_wait3A_79 : memref<128x128xf32, #tpu.memory_space<vmem>>)
    %dma_wait3A_83 = arith.constant 384 : i32
    %dma_wait3A_84 = arith.constant 0 : i32
    %dma_wait3A_85 = tpu.memref_slice %arg18[%dma_wait3A_83, %dma_wait3A_84] : memref<640x128xf32, #tpu.memory_space<vmem>> -> memref<128x128xf32, #tpu.memory_space<vmem>>
    %dma_wait3A_86 = arith.constant 0 : i32
    %dma_wait3A_87 = arith.constant 0 : i32
    %dma_wait3A_88 = tpu.memref_slice %arg5[%dma_wait3A_86, %dma_wait3A_87] : memref<1000000x128xf32, #tpu.memory_space<hbm>> -> memref<1000000x128xf32, #tpu.memory_space<hbm>>
    tpu.wait_indirect_dma semaphore(%arg19 : memref<!tpu.dma_semaphore, #tpu.memory_space<semaphore_mem>>) src(%dma_wait3A_88 : memref<1000000x128xf32, #tpu.memory_space<hbm>>) dst(%dma_wait3A_85 : memref<128x128xf32, #tpu.memory_space<vmem>>)
    %dma_wait3A_89 = arith.constant 512 : i32
    %dma_wait3A_90 = arith.constant 0 : i32
    %dma_wait3A_91 = tpu.memref_slice %arg18[%dma_wait3A_89, %dma_wait3A_90] : memref<640x128xf32, #tpu.memory_space<vmem>> -> memref<128x128xf32, #tpu.memory_space<vmem>>
    %dma_wait3A_92 = arith.constant 0 : i32
    %dma_wait3A_93 = arith.constant 0 : i32
    %dma_wait3A_94 = tpu.memref_slice %arg5[%dma_wait3A_92, %dma_wait3A_93] : memref<1000000x128xf32, #tpu.memory_space<hbm>> -> memref<1000000x128xf32, #tpu.memory_space<hbm>>
    tpu.wait_indirect_dma semaphore(%arg19 : memref<!tpu.dma_semaphore, #tpu.memory_space<semaphore_mem>>) src(%dma_wait3A_94 : memref<1000000x128xf32, #tpu.memory_space<hbm>>) dst(%dma_wait3A_91 : memref<128x128xf32, #tpu.memory_space<vmem>>)
    %mul3A_95 = arith.constant 32 : i32
    %mul3A_96 = arith.muli %add3A, %mul3A_95 : i32
    "tpu.region"() ({
      %run_scoped3A = tpu.sem_alloc : memref<!tpu.dma_semaphore, #tpu.memory_space<semaphore_mem>>
      %dma_start3A_101 = arith.constant 0 : i32
      %dma_start3A_102 = tpu.memref_slice %arg6[%mul3A_96, %dma_start3A_101] : memref<1024x128xf32, #tpu.memory_space<hbm>> -> memref<32x128xf32, #tpu.memory_space<hbm>>
      %dma_start3A_103 = arith.constant 0 : i32
      %dma_start3A_104 = tpu.memref_slice %arg6[%mul3A_96, %dma_start3A_103] : memref<1024x128xf32, #tpu.memory_space<hbm>> -> memref<32x128xf32, #tpu.memory_space<hbm>>
      tpu.enqueue_dma source(%arg16 : memref<32x128xf32, #tpu.memory_space<vmem>>) target(%dma_start3A_104 : memref<32x128xf32, #tpu.memory_space<hbm>>) target_semaphore(%run_scoped3A : memref<!tpu.dma_semaphore, #tpu.memory_space<semaphore_mem>>)
      %dma_wait3A_105 = arith.constant 0 : i32
      %dma_wait3A_106 = tpu.memref_slice %arg6[%mul3A_96, %dma_wait3A_105] : memref<1024x128xf32, #tpu.memory_space<hbm>> -> memref<32x128xf32, #tpu.memory_space<hbm>>
      %dma_wait3A_107 = arith.constant 0 : i32
      %dma_wait3A_108 = tpu.memref_slice %arg6[%mul3A_96, %dma_wait3A_107] : memref<1024x128xf32, #tpu.memory_space<hbm>> -> memref<32x128xf32, #tpu.memory_space<hbm>>
      tpu.wait_dma2 semaphore(%run_scoped3A : memref<!tpu.dma_semaphore, #tpu.memory_space<semaphore_mem>>) src(%arg16 : memref<32x128xf32, #tpu.memory_space<vmem>>) dst(%dma_wait3A_108 : memref<32x128xf32, #tpu.memory_space<hbm>>)
      tpu.yield
    }) : () -> ()
    %mul3A_97 = arith.constant 32 : i32
    %mul3A_98 = arith.muli %add3A, %mul3A_97 : i32
    "tpu.region"() ({
      %run_scoped3A = tpu.sem_alloc : memref<!tpu.dma_semaphore, #tpu.memory_space<semaphore_mem>>
      %dma_start3A_101 = arith.constant 0 : i32
      %dma_start3A_102 = tpu.memref_slice %arg7[%mul3A_98, %dma_start3A_101] : memref<1024x128xf32, #tpu.memory_space<hbm>> -> memref<32x128xf32, #tpu.memory_space<hbm>>
      %dma_start3A_103 = arith.constant 0 : i32
      %dma_start3A_104 = tpu.memref_slice %arg7[%mul3A_98, %dma_start3A_103] : memref<1024x128xf32, #tpu.memory_space<hbm>> -> memref<32x128xf32, #tpu.memory_space<hbm>>
      tpu.enqueue_dma source(%arg17 : memref<32x128xf32, #tpu.memory_space<vmem>>) target(%dma_start3A_104 : memref<32x128xf32, #tpu.memory_space<hbm>>) target_semaphore(%run_scoped3A : memref<!tpu.dma_semaphore, #tpu.memory_space<semaphore_mem>>)
      %dma_wait3A_105 = arith.constant 0 : i32
      %dma_wait3A_106 = tpu.memref_slice %arg7[%mul3A_98, %dma_wait3A_105] : memref<1024x128xf32, #tpu.memory_space<hbm>> -> memref<32x128xf32, #tpu.memory_space<hbm>>
      %dma_wait3A_107 = arith.constant 0 : i32
      %dma_wait3A_108 = tpu.memref_slice %arg7[%mul3A_98, %dma_wait3A_107] : memref<1024x128xf32, #tpu.memory_space<hbm>> -> memref<32x128xf32, #tpu.memory_space<hbm>>
      tpu.wait_dma2 semaphore(%run_scoped3A : memref<!tpu.dma_semaphore, #tpu.memory_space<semaphore_mem>>) src(%arg17 : memref<32x128xf32, #tpu.memory_space<vmem>>) dst(%dma_wait3A_108 : memref<32x128xf32, #tpu.memory_space<hbm>>)
      tpu.yield
    }) : () -> ()
    %mul3A_99 = arith.constant 640 : i32
    %mul3A_100 = arith.muli %add3A, %mul3A_99 : i32
    "tpu.region"() ({
      %run_scoped3A = tpu.sem_alloc : memref<!tpu.dma_semaphore, #tpu.memory_space<semaphore_mem>>
      %dma_start3A_101 = arith.constant 0 : i32
      %dma_start3A_102 = tpu.memref_slice %arg8[%mul3A_100, %dma_start3A_101] : memref<20480x128xf32, #tpu.memory_space<hbm>> -> memref<640x128xf32, #tpu.memory_space<hbm>>
      %dma_start3A_103 = arith.constant 0 : i32
      %dma_start3A_104 = tpu.memref_slice %arg8[%mul3A_100, %dma_start3A_103] : memref<20480x128xf32, #tpu.memory_space<hbm>> -> memref<640x128xf32, #tpu.memory_space<hbm>>
      tpu.enqueue_dma source(%arg18 : memref<640x128xf32, #tpu.memory_space<vmem>>) target(%dma_start3A_104 : memref<640x128xf32, #tpu.memory_space<hbm>>) target_semaphore(%run_scoped3A : memref<!tpu.dma_semaphore, #tpu.memory_space<semaphore_mem>>)
      %dma_wait3A_105 = arith.constant 0 : i32
      %dma_wait3A_106 = tpu.memref_slice %arg8[%mul3A_100, %dma_wait3A_105] : memref<20480x128xf32, #tpu.memory_space<hbm>> -> memref<640x128xf32, #tpu.memory_space<hbm>>
      %dma_wait3A_107 = arith.constant 0 : i32
      %dma_wait3A_108 = tpu.memref_slice %arg8[%mul3A_100, %dma_wait3A_107] : memref<20480x128xf32, #tpu.memory_space<hbm>> -> memref<640x128xf32, #tpu.memory_space<hbm>>
      tpu.wait_dma2 semaphore(%run_scoped3A : memref<!tpu.dma_semaphore, #tpu.memory_space<semaphore_mem>>) src(%arg18 : memref<640x128xf32, #tpu.memory_space<vmem>>) dst(%dma_wait3A_108 : memref<640x128xf32, #tpu.memory_space<hbm>>)
      tpu.yield
    }) : () -> ()
    return
  }
}

module attributes {stable_mosaic.version = 14 : i64} {
  func.func @_tc_transpose_body(%arg0: i32, %arg1: memref<32x8192xf32, #tpu.memory_space<vmem>>, %arg2: memref<8192x128xf32, #tpu.memory_space<vmem>>) attributes {dimension_semantics = [#tpu.dimension_semantics<arbitrary>], iteration_bounds = array<i64: 123>, scalar_prefetch = 0 : i64, scratch_operands = 0 : i64, tpu.core_type = #tpu.core_type<tc>, window_params = [{transform_indices = @transform_0, window_bounds = array<i64: 32, 8192>}, {transform_indices = @transform_1, window_bounds = array<i64: 8192, 128>}]} {
    %get3A = arith.constant 0 : index
    %get3A_0 = arith.constant 0 : index
    %get3A_1 = vector.load %arg1[%get3A, %get3A_0] : memref<32x8192xf32, #tpu.memory_space<vmem>>, vector<32x8192xf32>
    %transpose3A = tpu.transpose %get3A_1, [1, 0] : vector<32x8192xf32> -> vector<8192x32xf32>
    %swap3A = arith.constant 0 : index
    %swap3A_2 = arith.constant 0 : index
    %swap3A_3 = vector.load %arg2[%swap3A, %swap3A_2] : memref<8192x128xf32, #tpu.memory_space<vmem>>, vector<8192x32xf32>
    tpu.vector_store %arg2[%swap3A, %swap3A_2], %transpose3A {strides = array<i32>} : memref<8192x128xf32, #tpu.memory_space<vmem>>, vector<8192x32xf32>,
    return
  }
  func.func @transform_0(%arg0: i32) -> (i32, i32) {
    %c0_i32 = arith.constant 0 : i32
    %c0_i32_0 = arith.constant 0 : i32
    return %c0_i32, %arg0 : i32, i32
  }
  func.func @transform_1(%arg0: i32) -> (i32, i32) {
    %c0_i32 = arith.constant 0 : i32
    %c0_i32_0 = arith.constant 0 : i32
    return %arg0, %c0_i32 : i32, i32
  }
}

module attributes {stable_mosaic.version = 14 : i64} {
  func.func @_tc_loss_body(%arg0: memref<1024x128xf32, #tpu.memory_space<vmem>>, %arg1: memref<1024x128xf32, #tpu.memory_space<vmem>>, %arg2: memref<20480x128xf32, #tpu.memory_space<vmem>>, %arg3: memref<1x1xf32, #tpu.memory_space<smem>>) attributes {dimension_semantics = [], scalar_prefetch = 0 : i64, scratch_operands = 0 : i64, tpu.core_type = #tpu.core_type<tc>} {
    %get3A = arith.constant 0 : index
    %get3A_0 = arith.constant 0 : index
    %get3A_1 = vector.load %arg0[%get3A, %get3A_0] : memref<1024x128xf32, #tpu.memory_space<vmem>>, vector<1024x32xf32>
    %get3A_2 = arith.constant 0 : index
    %get3A_3 = arith.constant 0 : index
    %get3A_4 = vector.load %arg1[%get3A_2, %get3A_3] : memref<1024x128xf32, #tpu.memory_space<vmem>>, vector<1024x32xf32>
    %broadcast_in_dim3A = arith.constant 0.000000e+00 : f32
    %broadcast_in_dim3A_5 = vector.broadcast %broadcast_in_dim3A : f32 to vector<1024x32xf32>
    %get3A_6 = arith.constant 0 : index
    %get3A_7 = arith.constant 0 : index
    %get3A_8 = vector.load %arg2[%get3A_6, %get3A_7] : memref<20480x128xf32, #tpu.memory_space<vmem>>, vector<1024x32xf32>
    %add3A = arith.addf %broadcast_in_dim3A_5, %get3A_8 : vector<1024x32xf32>
    %get3A_9 = arith.constant 1024 : index
    %get3A_10 = arith.constant 0 : index
    %get3A_11 = vector.load %arg2[%get3A_9, %get3A_10] : memref<20480x128xf32, #tpu.memory_space<vmem>>, vector<1024x32xf32>
    %add3A_12 = arith.addf %add3A, %get3A_11 : vector<1024x32xf32>
    %get3A_13 = arith.constant 2048 : index
    %get3A_14 = arith.constant 0 : index
    %get3A_15 = vector.load %arg2[%get3A_13, %get3A_14] : memref<20480x128xf32, #tpu.memory_space<vmem>>, vector<1024x32xf32>
    %add3A_16 = arith.addf %add3A_12, %get3A_15 : vector<1024x32xf32>
    %get3A_17 = arith.constant 3072 : index
    %get3A_18 = arith.constant 0 : index
    %get3A_19 = vector.load %arg2[%get3A_17, %get3A_18] : memref<20480x128xf32, #tpu.memory_space<vmem>>, vector<1024x32xf32>
    %add3A_20 = arith.addf %add3A_16, %get3A_19 : vector<1024x32xf32>
    %get3A_21 = arith.constant 4096 : index
    %get3A_22 = arith.constant 0 : index
    %get3A_23 = vector.load %arg2[%get3A_21, %get3A_22] : memref<20480x128xf32, #tpu.memory_space<vmem>>, vector<1024x32xf32>
    %add3A_24 = arith.addf %add3A_20, %get3A_23 : vector<1024x32xf32>
    %get3A_25 = arith.constant 5120 : index
    %get3A_26 = arith.constant 0 : index
    %get3A_27 = vector.load %arg2[%get3A_25, %get3A_26] : memref<20480x128xf32, #tpu.memory_space<vmem>>, vector<1024x32xf32>
    %add3A_28 = arith.addf %add3A_24, %get3A_27 : vector<1024x32xf32>
    %get3A_29 = arith.constant 6144 : index
    %get3A_30 = arith.constant 0 : index
    %get3A_31 = vector.load %arg2[%get3A_29, %get3A_30] : memref<20480x128xf32, #tpu.memory_space<vmem>>, vector<1024x32xf32>
    %add3A_32 = arith.addf %add3A_28, %get3A_31 : vector<1024x32xf32>
    %get3A_33 = arith.constant 7168 : index
    %get3A_34 = arith.constant 0 : index
    %get3A_35 = vector.load %arg2[%get3A_33, %get3A_34] : memref<20480x128xf32, #tpu.memory_space<vmem>>, vector<1024x32xf32>
    %add3A_36 = arith.addf %add3A_32, %get3A_35 : vector<1024x32xf32>
    %get3A_37 = arith.constant 8192 : index
    %get3A_38 = arith.constant 0 : index
    %get3A_39 = vector.load %arg2[%get3A_37, %get3A_38] : memref<20480x128xf32, #tpu.memory_space<vmem>>, vector<1024x32xf32>
    %add3A_40 = arith.addf %add3A_36, %get3A_39 : vector<1024x32xf32>
    %get3A_41 = arith.constant 9216 : index
    %get3A_42 = arith.constant 0 : index
    %get3A_43 = vector.load %arg2[%get3A_41, %get3A_42] : memref<20480x128xf32, #tpu.memory_space<vmem>>, vector<1024x32xf32>
    %add3A_44 = arith.addf %add3A_40, %get3A_43 : vector<1024x32xf32>
    %get3A_45 = arith.constant 10240 : index
    %get3A_46 = arith.constant 0 : index
    %get3A_47 = vector.load %arg2[%get3A_45, %get3A_46] : memref<20480x128xf32, #tpu.memory_space<vmem>>, vector<1024x32xf32>
    %add3A_48 = arith.addf %add3A_44, %get3A_47 : vector<1024x32xf32>
    %get3A_49 = arith.constant 11264 : index
    %get3A_50 = arith.constant 0 : index
    %get3A_51 = vector.load %arg2[%get3A_49, %get3A_50] : memref<20480x128xf32, #tpu.memory_space<vmem>>, vector<1024x32xf32>
    %add3A_52 = arith.addf %add3A_48, %get3A_51 : vector<1024x32xf32>
    %get3A_53 = arith.constant 12288 : index
    %get3A_54 = arith.constant 0 : index
    %get3A_55 = vector.load %arg2[%get3A_53, %get3A_54] : memref<20480x128xf32, #tpu.memory_space<vmem>>, vector<1024x32xf32>
    %add3A_56 = arith.addf %add3A_52, %get3A_55 : vector<1024x32xf32>
    %get3A_57 = arith.constant 13312 : index
    %get3A_58 = arith.constant 0 : index
    %get3A_59 = vector.load %arg2[%get3A_57, %get3A_58] : memref<20480x128xf32, #tpu.memory_space<vmem>>, vector<1024x32xf32>
    %add3A_60 = arith.addf %add3A_56, %get3A_59 : vector<1024x32xf32>
    %get3A_61 = arith.constant 14336 : index
    %get3A_62 = arith.constant 0 : index
    %get3A_63 = vector.load %arg2[%get3A_61, %get3A_62] : memref<20480x128xf32, #tpu.memory_space<vmem>>, vector<1024x32xf32>
    %add3A_64 = arith.addf %add3A_60, %get3A_63 : vector<1024x32xf32>
    %get3A_65 = arith.constant 15360 : index
    %get3A_66 = arith.constant 0 : index
    %get3A_67 = vector.load %arg2[%get3A_65, %get3A_66] : memref<20480x128xf32, #tpu.memory_space<vmem>>, vector<1024x32xf32>
    %add3A_68 = arith.addf %add3A_64, %get3A_67 : vector<1024x32xf32>
    %get3A_69 = arith.constant 16384 : index
    %get3A_70 = arith.constant 0 : index
    %get3A_71 = vector.load %arg2[%get3A_69, %get3A_70] : memref<20480x128xf32, #tpu.memory_space<vmem>>, vector<1024x32xf32>
    %add3A_72 = arith.addf %add3A_68, %get3A_71 : vector<1024x32xf32>
    %get3A_73 = arith.constant 17408 : index
    %get3A_74 = arith.constant 0 : index
    %get3A_75 = vector.load %arg2[%get3A_73, %get3A_74] : memref<20480x128xf32, #tpu.memory_space<vmem>>, vector<1024x32xf32>
    %add3A_76 = arith.addf %add3A_72, %get3A_75 : vector<1024x32xf32>
    %get3A_77 = arith.constant 18432 : index
    %get3A_78 = arith.constant 0 : index
    %get3A_79 = vector.load %arg2[%get3A_77, %get3A_78] : memref<20480x128xf32, #tpu.memory_space<vmem>>, vector<1024x32xf32>
    %add3A_80 = arith.addf %add3A_76, %get3A_79 : vector<1024x32xf32>
    %get3A_81 = arith.constant 19456 : index
    %get3A_82 = arith.constant 0 : index
    %get3A_83 = vector.load %arg2[%get3A_81, %get3A_82] : memref<20480x128xf32, #tpu.memory_space<vmem>>, vector<1024x32xf32>
    %add3A_84 = arith.addf %add3A_80, %get3A_83 : vector<1024x32xf32>
    %mul3A = arith.mulf %get3A_4, %get3A_1 : vector<1024x32xf32>
    %reduce_sum3A = arith.constant dense<0.000000e+00> : vector<1024xf32>
    %reduce_sum3A_85 = vector.multi_reduction <add>, %mul3A, %reduce_sum3A [1] : vector<1024x32xf32> to vector<1024xf32>
    %broadcast_in_dim3A_86 = vector.shape_cast %reduce_sum3A_85 : vector<1024xf32> to vector<1024x1xf32>
    %mul3A_87 = arith.mulf %add3A_84, %get3A_1 : vector<1024x32xf32>
    %reduce_sum3A_88 = arith.constant dense<0.000000e+00> : vector<1024xf32>
    %reduce_sum3A_89 = vector.multi_reduction <add>, %mul3A_87, %reduce_sum3A_88 [1] : vector<1024x32xf32> to vector<1024xf32>
    %broadcast_in_dim3A_90 = vector.shape_cast %reduce_sum3A_89 : vector<1024xf32> to vector<1024x1xf32>
    %neg3A = arith.constant 0.000000e+00 : f32
    %neg3A_91 = vector.broadcast %neg3A : f32 to vector<1024x1xf32>
    %neg3A_92 = arith.subf %neg3A_91, %broadcast_in_dim3A_90 : vector<1024x1xf32>
    %neg3A_93 = arith.constant 0.000000e+00 : f32
    %neg3A_94 = vector.broadcast %neg3A_93 : f32 to vector<1024x1xf32>
    %neg3A_95 = arith.subf %neg3A_94, %broadcast_in_dim3A_86 : vector<1024x1xf32>
    %custom_jvp_call3A = arith.constant 0.000000e+00 : f32
    %max3A = vector.broadcast %custom_jvp_call3A : f32 to vector<1024x1xf32>
    %max3A_96 = arith.maximumf %neg3A_95, %max3A : vector<1024x1xf32>
    %sub3A = vector.broadcast %custom_jvp_call3A : f32 to vector<1024x1xf32>
    %sub3A_97 = arith.subf %neg3A_95, %sub3A : vector<1024x1xf32>
    %ne3A = arith.cmpf one, %sub3A_97, %sub3A_97 : vector<1024x1xf32>
    %add3A_98 = vector.broadcast %custom_jvp_call3A : f32 to vector<1024x1xf32>
    %add3A_99 = arith.addf %neg3A_95, %add3A_98 : vector<1024x1xf32>
    %abs3A = math.absf %sub3A_97 : vector<1024x1xf32>
    %neg3A_100 = arith.constant 0.000000e+00 : f32
    %neg3A_101 = vector.broadcast %neg3A_100 : f32 to vector<1024x1xf32>
    %neg3A_102 = arith.subf %neg3A_101, %abs3A : vector<1024x1xf32>
    %exp3A = math.exp %neg3A_102 : vector<1024x1xf32>
    %log1p3A = math.log1p %exp3A : vector<1024x1xf32>
    %add3A_103 = arith.addf %max3A_96, %log1p3A : vector<1024x1xf32>
    %select_n3A = arith.select %ne3A, %add3A_99, %add3A_103 : vector<1024x1xi1>, vector<1024x1xf32>
    %neg3A_104 = arith.constant 0.000000e+00 : f32
    %neg3A_105 = vector.broadcast %neg3A_104 : f32 to vector<1024x1xf32>
    %neg3A_106 = arith.subf %neg3A_105, %select_n3A : vector<1024x1xf32>
    %neg3A_107 = arith.constant 0.000000e+00 : f32
    %neg3A_108 = vector.broadcast %neg3A_107 : f32 to vector<1024x1xf32>
    %neg3A_109 = arith.subf %neg3A_108, %neg3A_92 : vector<1024x1xf32>
    %custom_jvp_call3A_110 = arith.constant 0.000000e+00 : f32
    %max3A_111 = vector.broadcast %custom_jvp_call3A_110 : f32 to vector<1024x1xf32>
    %max3A_112 = arith.maximumf %neg3A_109, %max3A_111 : vector<1024x1xf32>
    %sub3A_113 = vector.broadcast %custom_jvp_call3A_110 : f32 to vector<1024x1xf32>
    %sub3A_114 = arith.subf %neg3A_109, %sub3A_113 : vector<1024x1xf32>
    %ne3A_115 = arith.cmpf one, %sub3A_114, %sub3A_114 : vector<1024x1xf32>
    %add3A_116 = vector.broadcast %custom_jvp_call3A_110 : f32 to vector<1024x1xf32>
    %add3A_117 = arith.addf %neg3A_109, %add3A_116 : vector<1024x1xf32>
    %abs3A_118 = math.absf %sub3A_114 : vector<1024x1xf32>
    %neg3A_119 = arith.constant 0.000000e+00 : f32
    %neg3A_120 = vector.broadcast %neg3A_119 : f32 to vector<1024x1xf32>
    %neg3A_121 = arith.subf %neg3A_120, %abs3A_118 : vector<1024x1xf32>
    %exp3A_122 = math.exp %neg3A_121 : vector<1024x1xf32>
    %log1p3A_123 = math.log1p %exp3A_122 : vector<1024x1xf32>
    %add3A_124 = arith.addf %max3A_112, %log1p3A_123 : vector<1024x1xf32>
    %select_n3A_125 = arith.select %ne3A_115, %add3A_117, %add3A_124 : vector<1024x1xi1>, vector<1024x1xf32>
    %neg3A_126 = arith.constant 0.000000e+00 : f32
    %neg3A_127 = vector.broadcast %neg3A_126 : f32 to vector<1024x1xf32>
    %neg3A_128 = arith.subf %neg3A_127, %select_n3A_125 : vector<1024x1xf32>
    %add3A_129 = arith.addf %neg3A_106, %neg3A_128 : vector<1024x1xf32>
    %reduce_sum3A_130 = vector.shape_cast %add3A_129 : vector<1024x1xf32> to vector<1x1024x1xf32>
    %reduce_sum3A_131 = arith.constant dense<0.000000e+00> : vector<1xf32>
    %reduce_sum3A_132 = vector.multi_reduction <add>, %reduce_sum3A_130, %reduce_sum3A_131 [1, 2] : vector<1x1024x1xf32> to vector<1xf32>
    %reduce_sum3A_133 = vector.shape_cast %reduce_sum3A_132 : vector<1xf32> to vector<1x1x1xf32>
    %reduce_sum3A_134 = vector.extract %reduce_sum3A_133[0, 0, 0] : f32 from vector<1x1x1xf32>
    %div3A = arith.constant 1.024000e+03 : f32
    %div3A_135 = arith.divf %reduce_sum3A_134, %div3A : f32
    %neg3A_136 = arith.constant 0.000000e+00 : f32
    %neg3A_137 = arith.subf %neg3A_136, %div3A_135 : f32
    %swap3A = arith.constant 0 : index
    %swap3A_138 = arith.constant 0 : index
    %swap3A_139 = memref.load %arg3[%swap3A, %swap3A_138] : memref<1x1xf32, #tpu.memory_space<smem>>
    memref.store %neg3A_137, %arg3[%swap3A, %swap3A_138] : memref<1x1xf32, #tpu.memory_space<smem>>
    return
  }
}

</mosaic_0001>

<sc_bundles>
// kernel: kernel.5.cloned.1.call-start
scs
__scs_entry_jumppad:
0x0: {  	(pc) =	sbr.rel $0x88, $3  }
0x1: {  	(tag) =	ssettag $0x0;
	lr =	simm.s32 $0x1  }
0x2: {  	[smem:$0x3F9D] =	sst lr;
	_ =	strace $0xD0000000  }
0x3: {  	_ = 	snop  }
0x4: {  	_ = 	snop  }
0x5: {  	_ = 	snop  }
0x6: {  	_ = 	snop  }
0x7: {  	_ = 	snop  }
__scs_overlays_trampoline_lowered:
0x8: {  	[smem:$0x3FAC] =	sst s0  }
0x9: {  	[smem:$0x3FAD] =	sst s1  }
0xa: {  	[smem:$0x3FAE] =	sst s2  }
0xb: {  	[smem:$0x3FAF] =	sst s3  }
0xc: {  	[smem:$0x3FB0] =	sst s4  }
0xd: {  	[smem:$0x3FB1] =	sst s5  }
0xe: {  	[smem:$0x3FB2] =	sst s6  }
0xf: {  	[smem:$0x3FB3] =	sst s7  }
0x10: {  	[smem:$0x3FB4] =	sst s8  }
0x11: {  	[smem:$0x3FB5] =	sst s9;
	s0 =	simm.s32 @!p0 $0x0  }
0x12: {  	s1 =	sld [smem:$0x3F9B];
	s0 =	simm.s32 @p0 $0x1  }
0x13: {  	[smem:$0x3FB6] =	sst s0;
	s0 =	simm.s32 @!p1 $0x0  }
0x14: {  	s2 =	sld [smem:$0x3F9A];
	s0 =	simm.s32 @p1 $0x1  }
0x15: {  	[smem:$0x3FB7] =	sst s0;
	s0 =	simm.s32 @!p2 $0x0  }
0x16: {  	s3 =	sld [smem:$0x3FDB];
	s0 =	simm.s32 @p2 $0x1  }
0x17: {  	s4 =	simm.s32 $0x1BF5;
	[smem:$0x3FB9] =	sst s0  }
0x18: {  	s0 =	sld [smem:$0x3F9C];
	_ =	swait.ge [sflag:s4], $0x0  }
0x19: {  	s7 =	sld [smem:$0x3F9D]  }
0x1a: {  	s8 =	sadd.s32 $0xFFFFE003, lr  }
0x1b: {  	s9 =	sadd.s32 $0xFFFFFEF7, lr;
	s5 =	simm.s32 $0xFFFFFFFF;
	p2 =	slt.u32 s8, $0xFFFFF086  }
0x1c: {  	p1 =	slt.u32 s9, $0xF7A;
	s5 =	simm.s32 @!p2 $0x0  }
0x1d: {  	s5 =	simm.s32 @p1 $0x1;
	p0 =	seq.s32 s7, s2  }
0x1e: {  	s7 =	smul.u32 @!p0 $0xF7A, s2;
	p2 =	seq.s32 @!p0 s5, $0x0  }
0x1f: {  	s9 =	smul.u32 $0xF7A, s1;
	s8 =	simm.s32 @!p0 $0x1BF5;
	p2 =	por !p2, p0  }
0x20: {  	[sflag:s8] =	ssyncset.s32 @!p0 $0xFFFFF086;
	s6 =	sadd.s32 @!p0 s3, s7;
	s7 =	simm.s32 @!p0 $0x108  }
0x21: {  	s3 =	sadd.s32 s3, s9;
	s6 =	sadd.s32 @!p0 $0x88, s6;
	s7 =	simm.s32 @p2 $0x1082  }
0x22: {  	[simem:s7], [sflag:s8] =	dma.local @!p0 [hbm:s6], $0xF7A  }
0x23: {  	s9 =	sor.u32 $0xD0000000, s2;
	s6 =	simm.s32 $0x108;
	_ =	swait.ge @!p0 [sflag:s8], $0x0  }
0x24: {  	s3 =	sadd.s32 $0x88, s3;
	s6 =	simm.s32 @!p1 $0x1082;
	[sflag:s4] =	ssyncset.s32 $0xFFFFF086  }
0x25: {  	[simem:s6], [sflag:s4] =	dma.local [hbm:s3], $0xF7A  }
0x26: {  	[smem:$0x3F9D] =	sst s1;
	(tag) =	ssettag s2;
	_ =	strace s9  }
0x27: {  	s1 =	sld [smem:$0x3FAD]  }
0x28: {  	s2 =	sld [smem:$0x3FAE]  }
0x29: {  	s4 =	sld [smem:$0x3FB0]  }
0x2a: {  	p0 =	seq.s32 s5, $0x0;
	s5 =	sld [smem:$0x3FB1]  }
0x2b: {  	s6 =	sld [smem:$0x3FB2]  }
0x2c: {  	s7 =	sld [smem:$0x3FB3]  }
0x2d: {  	s3 =	simm.s32 $0x108;
	s8 =	sld [smem:$0x3FB4]  }
0x2e: {  	s3 =	simm.s32 @!p0 $0x1082;
	s9 =	sld [smem:$0x3FB5]  }
0x2f: {  	lr =	sadd.s32 s0, s3;
	s0 =	sld [smem:$0x3FAC]  }
0x30: {  	s3 =	sld [smem:$0x3FAF]  }
0x31: {  	[smem:$0x3FB8] =	sst s10  }
0x32: {  	s10 =	sld [smem:$0x3FB6];
	_ =	sdelay $0x3  }
0x33: {  	p0 =	seq.s32 s10, $0x1;
	s10 =	sld [smem:$0x3FB8];
	_ =	sdelay $0x3  }
0x34: {  	[smem:$0x3FB8] =	sst s10  }
0x35: {  	s10 =	sld [smem:$0x3FB7];
	_ =	sdelay $0x3  }
0x36: {  	p1 =	seq.s32 s10, $0x1;
	s10 =	sld [smem:$0x3FB8];
	_ =	sdelay $0x3  }
0x37: {  	[smem:$0x3FB8] =	sst s10  }
0x38: {  	s10 =	sld [smem:$0x3FB9]  }
0x39: {  	_ = 	snop;
	(pc) =	sbr.ind lr, $3  }
0x3a: {  	_ = 	snop  }
0x3b: {  	_ = 	snop  }
0x3c: {  	p2 =	seq.s32 s10, $0x1;
	s10 =	sld [smem:$0x3FB8]  }
0x3d: {  	_ =	shalt  }
0x3e: {  	_ =	shalt  }
0x3f: {  	_ =	shalt  }
0x40: {  	_ =	shalt  }
0x41: {  	_ =	shalt  }
0x42: {  	_ =	shalt  }
0x43: {  	_ =	shalt  }
0x44: {  	_ =	shalt  }
0x45: {  	_ =	shalt  }
0x46: {  	_ =	shalt  }
0x47: {  	_ =	shalt  }
0x48: {  	_ =	shalt  }
0x49: {  	_ =	shalt  }
0x4a: {  	_ =	shalt  }
0x4b: {  	_ =	shalt  }
0x4c: {  	_ =	shalt  }
0x4d: {  	_ =	shalt  }
0x4e: {  	_ =	shalt  }
0x4f: {  	_ =	shalt  }
0x50: {  	_ =	shalt  }
0x51: {  	_ =	shalt  }
0x52: {  	_ =	shalt  }
0x53: {  	_ =	shalt  }
0x54: {  	_ =	shalt  }
0x55: {  	_ =	shalt  }
0x56: {  	_ =	shalt  }
0x57: {  	_ =	shalt  }
0x58: {  	_ =	shalt  }
0x59: {  	_ =	shalt  }
0x5a: {  	_ =	shalt  }
0x5b: {  	_ =	shalt  }
0x5c: {  	_ =	shalt  }
0x5d: {  	_ =	shalt  }
0x5e: {  	_ =	shalt  }
0x5f: {  	_ =	shalt  }
0x60: {  	_ =	shalt  }
0x61: {  	_ =	shalt  }
0x62: {  	_ =	shalt  }
0x63: {  	_ =	shalt  }
0x64: {  	_ =	shalt  }
0x65: {  	_ =	shalt  }
0x66: {  	_ =	shalt  }
0x67: {  	_ =	shalt  }
0x68: {  	_ =	shalt  }
0x69: {  	_ =	shalt  }
0x6a: {  	_ =	shalt  }
0x6b: {  	_ =	shalt  }
0x6c: {  	_ =	shalt  }
0x6d: {  	_ =	shalt  }
0x6e: {  	_ =	shalt  }
0x6f: {  	_ =	shalt  }
0x70: {  	_ =	shalt  }
0x71: {  	_ =	shalt  }
0x72: {  	_ =	shalt  }
0x73: {  	_ =	shalt  }
0x74: {  	_ =	shalt  }
0x75: {  	_ =	shalt  }
0x76: {  	_ =	shalt  }
0x77: {  	_ =	shalt  }
0x78: {  	_ =	shalt  }
0x79: {  	_ =	shalt  }
0x7a: {  	_ =	shalt  }
0x7b: {  	_ =	shalt  }
0x7c: {  	_ =	shalt  }
0x7d: {  	_ =	shalt  }
0x7e: {  	_ =	shalt  }
0x7f: {  	_ =	shalt  }
0x80: {  	_ =	shalt  }
0x81: {  	_ =	shalt  }
0x82: {  	_ =	shalt  }
0x83: {  	_ =	shalt  }
0x84: {  	_ =	shalt  }
0x85: {  	_ =	shalt  }
0x86: {  	_ =	shalt  }
0x87: {  	_ =	shalt  }
.Lfunc_end0:
.L_simem_size_0:
called_computation_lowered:
.L_overlay_start_0:
0x88: {  	s2 =	sld [smem:$0x3FD9]  }
0x89: {  	s3 =	sld [smem:$0x3FFE];
	_ =	sdelay $0x1  }
0x8a: {  	s1 =	srdreg.scid  }
0x8b: {  	s0 =	sand.u32 $0x1, s1  }
0x8c: {  	s17 =	sshll.u32 s0, $0xA;
	s2 =	sadd.s32 s3, s2  }
0x8d: {  	s2 =	sadd.s32 s2, s17  }
0x8e: {  	[smem:$0x3FC4] =	sst s2  }
0x8f: {  	_ = 	snop  }
0x90: {  	s2 =	sld [smem:$0x3FC9]  }
0x91: {  	s18 =	sld [smem:$0x3FC8];
	(tm) =	ssettm $0x1  }
0x92: {  	s4 =	sld [smem:$0x3FFB];
	_ =	sdelay $0x3  }
0x93: {  	_ =	strace s4  }
0x94: {  	s4 =	sld [smem:$0x3FFC];
	_ =	sdelay $0x3  }
0x95: {  	_ =	strace s4  }
0x96: {  	s4 =	sld [smem:$0x3FFD];
	_ =	sdelay $0x3  }
0x97: {  	_ =	strace s4  }
0x98: {  	_ =	strace $0x8FFFFFFF  }
0x99: {  	s19 =	sld [smem:$0x3FDB];
	_ =	sdelay $0x1  }
0x9a: {  	s5 =	simm.s32 $_scs_section_size  }
0x9b: {  	s6 =	simm.s32 $_size__tile_overlayer_lowered;
	s7 =	simm.s32 $_tile_overlayer_lowered  }
0x9c: {  	s22 =	simm.s32 $0x1BFF;
	s21 =	sshll.u32 s7, $0x1;
	s4 =	sadd.s32 s5, s19  }
0x9d: {  	s8 =	simm.s32 $0x0;
	s20 =	sshll.u32 s6, $0x1;
	s6 =	sadd.s32 s21, s4  }
0x9e: {  	[timem:s8], [sflag:s22] =	dma.local [hbm:s6], s20  }
0x9f: {  	_ =	swait.ge [sflag:s22], s20  }
0xa0: {  	s5 =	ssub.s32 $0x0, s20;
	[sflag:s22] =	ssyncset.done $0x0  }
0xa1: {  	[sflag:s22] =	ssyncadd.s32 s5;
	_ =	sdelay $0x1  }
0xa2: {  	s23 =	simm.s32 $0x1B8B  }
0xa3: {  	_ =	swait.ge [sflag:s23], $0x1  }
0xa4: {  	[sflag:s23] =	ssyncset.done $0x0  }
0xa5: {  	s25 =	simm.s32 $0x1B8E;
	s24 =	sld [smem:$0x3FFE];
	[sflag:s23] =	ssyncadd.s32 $0xFFFFFFFF  }
0xa6: {  	s26 =	simm.s32 $execute0_lowered;
	[smem:$0x3FD2] =	sst s25  }
0xa7: {  	s6 =	sshll.u32 s26, $0x1;
	_ =	strace $0x80000046;
	[dreg:$0x1] =	wrdreg $0xFFFFFFFF  }
0xa8: {  	s28 =	simm.s32 $_size_execute0_lowered;
	s4 =	sadd.s32 s4, s6;
	[dreg:$0x0] =	wrdreg $0x0  }
0xa9: {  	s6 =	sshll.u32 s28, $0x1;
	[dreg:$0x2] =	wrdreg s4  }
0xaa: {  	[dreg:$0x3] =	wrdreg s6  }
0xab: {  	[dreg:$0x4] =	wrdreg $0xC0  }
0xac: {  	_ =	task [dreg:s8], $0x5FFFF  }
0xad: {  	[dreg:$0x1] =	wrdreg $0xFFFFFFFF  }
0xae: {  	[dreg:$0x0] =	wrdreg $0x60  }
0xaf: {  	[dreg:$0x2] =	wrdreg s2  }
0xb0: {  	[dreg:$0x3] =	wrdreg s18  }
0xb1: {  	[dreg:$0x4] =	wrdreg s24  }
0xb2: {  	[dreg:$0x5] =	wrdreg $0x9  }
0xb3: {  	_ =	task.clear_ibuf [dreg:s8], $0x6FFFF;
	_ =	strace $0x90000046  }
0xb4: {  	s29 =	simm.s32 $0x9;
	_ =	strace $0x80000048  }
0xb5: {  	_ =	swait.ge [sflag:s29], $0x1  }
0xb6: {  	[sflag:s29] =	ssyncadd.s32 $0xFFFFFFFF  }
0xb7: {  	_ =	strace $0x90000048  }
0xb8: {  	_ =	sfence  }
0xb9: {  	s30 =	sld [smem:$0x0];
	_ =	sdelay $0x2  }
0xba: {  	s31 =	sshll.u32 s1, $0xD;
	s1 =	sshrl.u32 s1, $0x2  }
0xbb: {  	s3 =	sand.u32 $0x4000, s31;
	s1 =	sadd.s32 s1, s30  }
0xbc: {  	s0 =	sor.u32 s3, s0;
	s1 =	sshll.u32 s1, $0x11  }
0xbd: {  	s0 =	sor.u32 s1, s0  }
0xbe: {  	s0 =	sadd.s32 $0x8F2B, s0  }
0xbf: {  	[sflag:s0] =	ssyncadd.remote.s32 $0x1  }
0xc0: {  	_ =	sfence.sel $0xFFFF  }
0xc1: {  	[dreg:$0x0] =	wrdreg $0xFFFFFFFF;
	(pc) =	sbr.abs _section_cstart, $3  }
0xc2: {  	[dreg:$0x1] =	wrdreg $0xFFFFFFFF  }
0xc3: {  	_ =	task.clear_ibuf [dreg:s8], $0x2FFFF;
	_ =	strace $0x9FFFFFFF  }
0xc4: {  	(tm) =	ssettm $0x7FFFFFFF  }
0xc5: {  	_ =	shalt  }
tec
execute0_lowered:
.L_overlay_start_1:
0x0: {  	(tag) =	ssettag $0x1  }
0x1: {  	s3 =	rddreg [dreg:$0x0]  }
0x2: {  	s1 =	srdreg.scid;
	s0 =	stileid.u32  }
0x3: {  	s5 =	rddreg [dreg:$0x1];
	s29 =	sand.u32 $0x1, s1;
	s4 =	sshll.u32 s0, $0x1  }
0x4: {  	s30 =	rddreg [dreg:$0x2];
	s2 =	simm.s32 $0x0;
	s31 =	sor.u32 s29, s4  }
0x5: {  	[smem:$0x7FF] =	sst s2;
	s6 =	sshll.u32 s31, $0x2  }
0x6: {  	_ =	strace $0x80000047;
	s4 =	sadd.s32 s3, s6;
	s3 =	simm.s32 $0x2  }
0x7: {  	[tilespmem:s2], [sflag:$0x2] =	stream.linear.gather [hbm4b:s4+s2], $0x20, $0x38;
	[tilespmem:$0x16380] =	vst v63  }
0x8: {  	_ =	swait.ge [sflag:s3], $0x20  }
0x9: {  	s7 =	smul.u32 $0x280, s31;
	[sflag:s3] =	ssyncset.done $0x0  }
0xa: {  	s5 =	sadd.s32 s5, s6;
	s6 =	simm.s32 $0x80;
	[sflag:s3] =	ssyncadd.s32 $0xFFFFFFE0  }
0xb: {  	[tilespmem:s6], [sflag:$0x2] =	stream.linear.gather [hbm4b:s5+s2], $0x20, $0x38;
	[tilespmem:$0x16380] =	vst v63  }
0xc: {  	s7 =	sshrl.u32 s7, $0x3;
	_ =	swait.ge [sflag:s3], $0x20  }
0xd: {  	s15 =	sadd.s32 s7, s30;
	[sflag:s3] =	ssyncset.done $0x0  }
0xe: {  	s8 =	simm.s32 $0x100;
	s7 =	sadd.s32 $0xE00, s15;
	[sflag:s3] =	ssyncadd.s32 $0xFFFFFFE0  }
0xf: {  	[tilespmem:s8], [sflag:$0x2] =	stream.linear.gather [hbm4b:s7+s2], $0x80, $0x38;
	[tilespmem:$0x16380] =	vst v63  }
0x10: {  	_ =	swait.ge [sflag:s3], $0x80  }
0x11: {  	[sflag:s3] =	ssyncset.done $0x0  }
0x12: {  	s10 =	simm.s32 $0x180;
	s9 =	sadd.s32 $0xE10, s15;
	[sflag:s3] =	ssyncadd.s32 $0xFFFFFF80  }
0x13: {  	[tilespmem:s10], [sflag:$0x2] =	stream.linear.gather [hbm4b:s9+s2], $0x80, $0x38;
	[tilespmem:$0x16380] =	vst v63  }
0x14: {  	_ =	swait.ge [sflag:s3], $0x80  }
0x15: {  	[sflag:s3] =	ssyncset.done $0x0  }
0x16: {  	s12 =	simm.s32 $0x200;
	s11 =	sadd.s32 $0xE20, s15;
	[sflag:s3] =	ssyncadd.s32 $0xFFFFFF80  }
0x17: {  	[tilespmem:s12], [sflag:$0x2] =	stream.linear.gather [hbm4b:s11+s2], $0x80, $0x38;
	[tilespmem:$0x16380] =	vst v63  }
0x18: {  	_ =	swait.ge [sflag:s3], $0x80  }
0x19: {  	[sflag:s3] =	ssyncset.done $0x0  }
0x1a: {  	s14 =	simm.s32 $0x280;
	s13 =	sadd.s32 $0xE30, s15;
	[sflag:s3] =	ssyncadd.s32 $0xFFFFFF80  }
0x1b: {  	[tilespmem:s14], [sflag:$0x2] =	stream.linear.gather [hbm4b:s13+s2], $0x80, $0x38;
	[tilespmem:$0x16380] =	vst v63  }
0x1c: {  	_ =	swait.ge [sflag:s3], $0x80  }
0x1d: {  	[sflag:s3] =	ssyncset.done $0x0  }
0x1e: {  	s16 =	simm.s32 $0x300;
	s15 =	sadd.s32 $0xE40, s15;
	[sflag:s3] =	ssyncadd.s32 $0xFFFFFF80  }
0x1f: {  	[tilespmem:s16], [sflag:$0x2] =	stream.linear.gather [hbm4b:s15+s2], $0x80, $0x38;
	[tilespmem:$0x16380] =	vst v63  }
0x20: {  	_ =	swait.ge [sflag:s3], $0x80  }
0x21: {  	s18 =	simm.s32 $0x20;
	[sflag:s3] =	ssyncset.done $0x0  }
0x22: {  	s19 =	simm.s32 $0x380;
	s17 =	sadd.s32 $0x1800, s30;
	[sflag:s3] =	ssyncadd.s32 $0xFFFFFF80  }
0x23: {  	[tilespmem:s19], [sflag:$0x1] =	stream.indirect.gather [hbm4b:s17+s18], $0x80, s2, s18, $0xb8;
	[tilespmem:$0x16380] =	vst v63  }
0x24: {  	s20 =	simm.s32 $0x1380  }
0x25: {  	[tilespmem:s20], [sflag:$0x1] =	stream.indirect.gather [hbm4b:s17+s18], $0x80, s6, s18, $0xb8;
	[tilespmem:$0x16380] =	vst v63  }
0x26: {  	s21 =	simm.s32 $0x2380  }
0x27: {  	[tilespmem:s21], [sflag:$0x1] =	stream.indirect.gather [hbm4b:s17+s6], $0x80, s8, s6, $0xb8;
	[tilespmem:$0x16380] =	vst v63  }
0x28: {  	s22 =	simm.s32 $0x6380  }
0x29: {  	[tilespmem:s22], [sflag:$0x1] =	stream.indirect.gather [hbm4b:s17+s6], $0x80, s10, s6, $0xb8;
	[tilespmem:$0x16380] =	vst v63  }
0x2a: {  	s23 =	simm.s32 $0xA380  }
0x2b: {  	[tilespmem:s23], [sflag:$0x1] =	stream.indirect.gather [hbm4b:s17+s6], $0x80, s12, s6, $0xb8;
	[tilespmem:$0x16380] =	vst v63  }
0x2c: {  	s24 =	simm.s32 $0xE380  }
0x2d: {  	[tilespmem:s24], [sflag:$0x1] =	stream.indirect.gather [hbm4b:s17+s6], $0x80, s14, s6, $0xb8;
	[tilespmem:$0x16380] =	vst v63  }
0x2e: {  	s25 =	simm.s32 $0x12380;
	s26 =	simm.s32 $0x1  }
0x2f: {  	[tilespmem:s25], [sflag:$0x1] =	stream.indirect.gather [hbm4b:s17+s6], $0x80, s16, s6, $0xb8;
	[tilespmem:$0x16380] =	vst v63  }
0x30: {  	_ =	swait.ge [sflag:s26], $0x1000  }
0x31: {  	[sflag:s26] =	ssyncset.done $0x0  }
0x32: {  	[sflag:s26] =	ssyncadd.s32 $0xFFFFF000  }
0x33: {  	_ =	swait.ge [sflag:s26], $0x1000  }
0x34: {  	[sflag:s26] =	ssyncset.done $0x0  }
0x35: {  	[sflag:s26] =	ssyncadd.s32 $0xFFFFF000  }
0x36: {  	_ =	swait.ge [sflag:s26], $0x4000  }
0x37: {  	[sflag:s26] =	ssyncset.done $0x0  }
0x38: {  	[sflag:s26] =	ssyncadd.s32 $0xFFFFC000  }
0x39: {  	_ =	swait.ge [sflag:s26], $0x4000  }
0x3a: {  	[sflag:s26] =	ssyncset.done $0x0  }
0x3b: {  	[sflag:s26] =	ssyncadd.s32 $0xFFFFC000  }
0x3c: {  	_ =	swait.ge [sflag:s26], $0x4000  }
0x3d: {  	[sflag:s26] =	ssyncset.done $0x0  }
0x3e: {  	[sflag:s26] =	ssyncadd.s32 $0xFFFFC000  }
0x3f: {  	_ =	swait.ge [sflag:s26], $0x4000  }
0x40: {  	[sflag:s26] =	ssyncset.done $0x0  }
0x41: {  	[sflag:s26] =	ssyncadd.s32 $0xFFFFC000  }
0x42: {  	s28 =	sshll.u32 s31, $0x9;
	_ =	swait.ge [sflag:s26], $0x4000  }
0x43: {  	s1 =	sadd.s32 s28, s30;
	[sflag:s26] =	ssyncset.done $0x0  }
0x44: {  	s0 =	ssub.s32 $0x2, s29;
	s28 =	sadd.s32 $0xF93C00, s1;
	[sflag:s26] =	ssyncadd.s32 $0xFFFFC000  }
0x45: {  	[hbm4b:s28+s2] =	stream.linear.scatter [tilespmem:s19], [sflag:$0x2], $0x1000, $0x38;
	[tilespmem:$0x16380] =	vst v63  }
0x46: {  	s29 =	sadd.s32 $0xF97C00, s1;
	s1 =	sshrl.u32 s0, $0x1;
	_ =	swait.ge [sflag:s3], $0x1000  }
0x47: {  	s0 =	ssub.s32 s0, s1;
	[sflag:s3] =	ssyncset.done $0x0  }
0x48: {  	s31 =	smul.u32 $0x2800, s31;
	s0 =	smax.u32 s0, $0x1;
	[sflag:s3] =	ssyncadd.s32 $0xFFFFF000  }
0x49: {  	[hbm4b:s29+s2] =	stream.linear.scatter [tilespmem:s20], [sflag:$0x2], $0x1000, $0x38;
	[tilespmem:$0x16380] =	vst v63  }
0x4a: {  	p0 =	sne.s32 s0, $0x1;
	_ =	swait.ge [sflag:s3], $0x1000  }
.Ltmp0:
0x4b: {  	s30 =	sadd.s32 s31, s30;
	[sflag:s3] =	ssyncset.done $0x0;
	(pc) =	sbr.rel @!p0 .LBB2_2-.Ltmp0, $4  }
0x4c: {  	s30 =	sadd.s32 $0xF43C00, s30;
	[sflag:s3] =	ssyncadd.s32 $0xFFFFF000  }
0x4d: {  	[hbm4b:s30+s2] =	stream.linear.scatter [tilespmem:s21], [sflag:$0x2], $0x14000, $0x38;
	[tilespmem:$0x16380] =	vst v63  }
0x4e: {  	_ =	swait.ge [sflag:s3], $0x14000  }
0x4f: {  	s31 =	sadd.s32 $0xFFFFFFFF, s0;
	[sflag:s3] =	ssyncset.done $0x0  }
.LBB2_1:
0x50: {  	p0 =	sne.s32 s31, $0x1;
	s31 =	sadd.s32 $0xFFFFFFFF, s31;
	[sflag:s3] =	ssyncadd.s32 $0xFFFEC000  }
0x51: {  	[tilespmem:s2], [sflag:$0x2] =	stream.linear.gather [hbm4b:s4+s2], $0x20, $0x38;
	[tilespmem:$0x16380] =	vst v63  }
0x52: {  	_ =	swait.ge [sflag:s3], $0x20  }
0x53: {  	[sflag:s3] =	ssyncset.done $0x0  }
0x54: {  	[sflag:s3] =	ssyncadd.s32 $0xFFFFFFE0  }
0x55: {  	[tilespmem:s6], [sflag:$0x2] =	stream.linear.gather [hbm4b:s5+s2], $0x20, $0x38;
	[tilespmem:$0x16380] =	vst v63  }
0x56: {  	_ =	swait.ge [sflag:s3], $0x20  }
0x57: {  	[sflag:s3] =	ssyncset.done $0x0  }
0x58: {  	[sflag:s3] =	ssyncadd.s32 $0xFFFFFFE0  }
0x59: {  	[tilespmem:s8], [sflag:$0x2] =	stream.linear.gather [hbm4b:s7+s2], $0x80, $0x38;
	[tilespmem:$0x16380] =	vst v63  }
0x5a: {  	_ =	swait.ge [sflag:s3], $0x80  }
0x5b: {  	[sflag:s3] =	ssyncset.done $0x0  }
0x5c: {  	[sflag:s3] =	ssyncadd.s32 $0xFFFFFF80  }
0x5d: {  	[tilespmem:s10], [sflag:$0x2] =	stream.linear.gather [hbm4b:s9+s2], $0x80, $0x38;
	[tilespmem:$0x16380] =	vst v63  }
0x5e: {  	_ =	swait.ge [sflag:s3], $0x80  }
0x5f: {  	[sflag:s3] =	ssyncset.done $0x0  }
0x60: {  	[sflag:s3] =	ssyncadd.s32 $0xFFFFFF80  }
0x61: {  	[tilespmem:s12], [sflag:$0x2] =	stream.linear.gather [hbm4b:s11+s2], $0x80, $0x38;
	[tilespmem:$0x16380] =	vst v63  }
0x62: {  	_ =	swait.ge [sflag:s3], $0x80  }
0x63: {  	[sflag:s3] =	ssyncset.done $0x0  }
0x64: {  	[sflag:s3] =	ssyncadd.s32 $0xFFFFFF80  }
0x65: {  	[tilespmem:s14], [sflag:$0x2] =	stream.linear.gather [hbm4b:s13+s2], $0x80, $0x38;
	[tilespmem:$0x16380] =	vst v63  }
0x66: {  	_ =	swait.ge [sflag:s3], $0x80  }
0x67: {  	[sflag:s3] =	ssyncset.done $0x0  }
0x68: {  	[sflag:s3] =	ssyncadd.s32 $0xFFFFFF80  }
0x69: {  	[tilespmem:s16], [sflag:$0x2] =	stream.linear.gather [hbm4b:s15+s2], $0x80, $0x38;
	[tilespmem:$0x16380] =	vst v63  }
0x6a: {  	_ =	swait.ge [sflag:s3], $0x80  }
0x6b: {  	[sflag:s3] =	ssyncset.done $0x0  }
0x6c: {  	[sflag:s3] =	ssyncadd.s32 $0xFFFFFF80  }
0x6d: {  	[tilespmem:s19], [sflag:$0x1] =	stream.indirect.gather [hbm4b:s17+s18], $0x80, s2, s18, $0xb8;
	[tilespmem:$0x16380] =	vst v63  }
0x6e: {  	_ = 	snop  }
0x6f: {  	[tilespmem:s20], [sflag:$0x1] =	stream.indirect.gather [hbm4b:s17+s18], $0x80, s6, s18, $0xb8;
	[tilespmem:$0x16380] =	vst v63  }
0x70: {  	_ = 	snop  }
0x71: {  	[tilespmem:s21], [sflag:$0x1] =	stream.indirect.gather [hbm4b:s17+s6], $0x80, s8, s6, $0xb8;
	[tilespmem:$0x16380] =	vst v63  }
0x72: {  	_ = 	snop  }
0x73: {  	[tilespmem:s22], [sflag:$0x1] =	stream.indirect.gather [hbm4b:s17+s6], $0x80, s10, s6, $0xb8;
	[tilespmem:$0x16380] =	vst v63  }
0x74: {  	_ = 	snop  }
0x75: {  	[tilespmem:s23], [sflag:$0x1] =	stream.indirect.gather [hbm4b:s17+s6], $0x80, s12, s6, $0xb8;
	[tilespmem:$0x16380] =	vst v63  }
0x76: {  	_ = 	snop  }
0x77: {  	[tilespmem:s24], [sflag:$0x1] =	stream.indirect.gather [hbm4b:s17+s6], $0x80, s14, s6, $0xb8;
	[tilespmem:$0x16380] =	vst v63  }
0x78: {  	_ = 	snop  }
0x79: {  	[tilespmem:s25], [sflag:$0x1] =	stream.indirect.gather [hbm4b:s17+s6], $0x80, s16, s6, $0xb8;
	[tilespmem:$0x16380] =	vst v63  }
0x7a: {  	_ =	swait.ge [sflag:s26], $0x1000  }
0x7b: {  	[sflag:s26] =	ssyncset.done $0x0  }
0x7c: {  	[sflag:s26] =	ssyncadd.s32 $0xFFFFF000  }
0x7d: {  	_ =	swait.ge [sflag:s26], $0x1000  }
0x7e: {  	[sflag:s26] =	ssyncset.done $0x0  }
0x7f: {  	[sflag:s26] =	ssyncadd.s32 $0xFFFFF000  }
0x80: {  	_ =	swait.ge [sflag:s26], $0x4000  }
0x81: {  	[sflag:s26] =	ssyncset.done $0x0  }
0x82: {  	[sflag:s26] =	ssyncadd.s32 $0xFFFFC000  }
0x83: {  	_ =	swait.ge [sflag:s26], $0x4000  }
0x84: {  	[sflag:s26] =	ssyncset.done $0x0  }
0x85: {  	[sflag:s26] =	ssyncadd.s32 $0xFFFFC000  }
0x86: {  	_ =	swait.ge [sflag:s26], $0x4000  }
0x87: {  	[sflag:s26] =	ssyncset.done $0x0  }
0x88: {  	[sflag:s26] =	ssyncadd.s32 $0xFFFFC000  }
0x89: {  	_ =	swait.ge [sflag:s26], $0x4000  }
0x8a: {  	[sflag:s26] =	ssyncset.done $0x0  }
0x8b: {  	[sflag:s26] =	ssyncadd.s32 $0xFFFFC000  }
0x8c: {  	_ =	swait.ge [sflag:s26], $0x4000  }
0x8d: {  	[sflag:s26] =	ssyncset.done $0x0  }
0x8e: {  	[sflag:s26] =	ssyncadd.s32 $0xFFFFC000  }
0x8f: {  	[hbm4b:s28+s2] =	stream.linear.scatter [tilespmem:s19], [sflag:$0x2], $0x1000, $0x38;
	[tilespmem:$0x16380] =	vst v63  }
0x90: {  	_ =	swait.ge [sflag:s3], $0x1000  }
0x91: {  	[sflag:s3] =	ssyncset.done $0x0  }
0x92: {  	[sflag:s3] =	ssyncadd.s32 $0xFFFFF000  }
0x93: {  	[hbm4b:s29+s2] =	stream.linear.scatter [tilespmem:s20], [sflag:$0x2], $0x1000, $0x38;
	[tilespmem:$0x16380] =	vst v63  }
0x94: {  	_ =	swait.ge [sflag:s3], $0x1000  }
.Ltmp1:
0x95: {  	[sflag:s3] =	ssyncset.done $0x0;
	(pc) =	sbr.rel @p0 .LBB2_1-.Ltmp1, $4  }
0x96: {  	[sflag:s3] =	ssyncadd.s32 $0xFFFFF000  }
0x97: {  	[hbm4b:s30+s2] =	stream.linear.scatter [tilespmem:s21], [sflag:$0x2], $0x14000, $0x38;
	[tilespmem:$0x16380] =	vst v63  }
0x98: {  	_ =	swait.ge [sflag:s3], $0x14000  }
0x99: {  	[sflag:s3] =	ssyncset.done $0x0  }
.LBB2_2:
0x9a: {  	[sflag:s3] =	ssyncadd.s32 $0xFFFEC000  }
0x9b: {  	_ =	sfence.sel $0x180000  }
0x9c: {  	[bflag:$0x0] =	sbarrier.arrive $0xFFFF  }
0x9d: {  	_ =	strace $0x90000047  }
0x9e: {  	s0 =	stileid.u32;
	[bflag:$0x2] =	sbarrier.arrive $0xFFFF  }
0x9f: {  	p0 =	sne.s32 s0, $0x0;
	s0 =	rddreg [dreg:$0x3]  }
0xa0: {  	s0 =	sadd.s32 @!p0 $0x100000, s0  }
0xa1: {  	[sflag:s0] =	ssyncadd.tile.s32 @!p0 $0x1;
	_ =	shalt  }
.Lfunc_end2:
_tile_overlayer_lowered:
.L_overlay_start_2:
0xa2: {  	(tag) =	ssettag $0x2  }
0xa3: {  	s0 =	rddreg [dreg:$0x0];
	s2 =	stileid.u32  }
0xa4: {  	s1 =	rddreg [dreg:$0x1];
	p0 =	sne.s32 s2, $0x0  }
0xa5: {  	s3 =	rddreg [dreg:$0x2];
	[bflag:$0x3] =	sbarrier.arrive $0xFFFF;
	s2 =	simm.s32 @!p0 $0x1C02  }
0xa6: {  	[timem:s3], [sflag:s2] =	dma.local @!p0 [hbm:s0], s1  }
0xa7: {  	s0 =	simm.s32 @!p0 $0x2  }
0xa8: {  	_ =	swait.ge @!p0 [sflag:s0], s1  }
0xa9: {  	s1 =	ssub.s32 @!p0 $0x0, s1;
	[sflag:s0] =	ssyncset.done @!p0 $0x0  }
0xaa: {  	[sflag:s0] =	ssyncadd.s32 @!p0 s1  }
0xab: {  	[bflag:$0x3] =	sbarrier.arrive $0xFFFF  }
0xac: {  	_ =	shalt  }

</sc_bundles>
